<compile_context>
chip_gen: v7x
topology: tpu7x:2x2x1
jax: 0.10.2.dev20260603
libtpu: 0.0.44.dev20260713+nightly
codegen_flags: <defaults>
</compile_context>

<pallas_src>
import functools

import jax
import jax.numpy as jnp
from jax import lax
from jax.experimental import pallas as pl
from jax.experimental.pallas import tpu as pltpu
from jax.experimental.pallas import tpu_sc as plsc

N_NODES = 10000
N_EDGES = 320000
H = 128
NIN = 16
SCALE = 30.0

NC = 2
NS = 16
NW = NC * NS
EDGES_PER_WORKER = N_EDGES // NW
CHUNK = 80
NCHUNKS = EDGES_PER_WORKER // CHUNK


def _gelu(x):
    return 0.5 * x * (1.0 + lax.erf(x * (2.0 ** -0.5)))



BE = 1280


def _edge_mlp_body(xa_ref, xb_ref, w1a_ref, w1b_ref, b1_ref, w2_ref, b2_ref,
                   w3_ref, b3_ref, out_ref):
    xa = xa_ref[...]
    xb = xb_ref[...]
    m = _gelu(jnp.dot(xa, w1a_ref[...], preferred_element_type=jnp.float32)
              + jnp.dot(xb, w1b_ref[...], preferred_element_type=jnp.float32)
              + b1_ref[...])
    m = _gelu(jnp.dot(m, w2_ref[...], preferred_element_type=jnp.float32)
              + b2_ref[...])
    out_ref[...] = (jnp.dot(m, w3_ref[...], preferred_element_type=jnp.float32)
                    + b3_ref[...])


def _edge_mlp(h_E, W1_w, W1_b, W2_w, W2_b, W3_w, W3_b):
    xa = h_E[:, :H]
    xb = h_E[:, H:]
    w1a = W1_w[:H]
    w1b = W1_w[H:]
    grid = (N_EDGES // BE,)
    full = lambda s: pl.BlockSpec(s, lambda i: (0, 0))
    return pl.pallas_call(
        _edge_mlp_body,
        grid=grid,
        in_specs=[
            pl.BlockSpec((BE, H), lambda i: (i, 0)),
            pl.BlockSpec((BE, NIN), lambda i: (i, 0)),
            full((H, H)), full((NIN, H)), full((1, H)),
            full((H, H)), full((1, H)),
            full((H, H)), full((1, H)),
        ],
        out_specs=pl.BlockSpec((BE, H), lambda i: (i, 0)),
        out_shape=jax.ShapeDtypeStruct((N_EDGES, H), jnp.float32),
    )(xa, xb, w1a, w1b, W1_b.reshape(1, H), W2_w, W2_b.reshape(1, H),
      W3_w, W3_b.reshape(1, H))



NBUF = 3


def _scatter_body(hm_hbm, idx_hbm, zeros_hbm, out0_hbm, out1_hbm,
                  idx_v, rows_v, acc_sh, sems):
    cid = lax.axis_index("c")
    sid = lax.axis_index("s")
    wid = cid * NS + sid

    @pl.when(sid == 0)
    def _():
        pltpu.sync_copy(zeros_hbm, acc_sh)

    pltpu.sync_copy(idx_hbm.at[wid], idx_v)
    plsc.subcore_barrier()

    base = wid * EDGES_PER_WORKER

    def _start(j, slot):
        pltpu.async_copy(hm_hbm.at[pl.ds(base + j * CHUNK, CHUNK)],
                         rows_v.at[slot], sems.at[slot])

    for j in range(NBUF - 1):
        _start(j, j)

    def body(j, carry):
        slot = lax.rem(j, NBUF)
        nxt = j + (NBUF - 1)

        @pl.when(nxt < NCHUNKS)
        def _():
            _start(nxt, lax.rem(nxt, NBUF))

        pltpu.make_async_copy(hm_hbm.at[pl.ds(base + j * CHUNK, CHUNK)],
                              rows_v.at[slot], sems.at[slot]).wait()
        pltpu.sync_copy(rows_v.at[slot], acc_sh.at[idx_v.at[j]], add=True)
        return carry

    lax.fori_loop(0, NCHUNKS, body, 0)
    plsc.subcore_barrier()

    @pl.when((sid == 0) & (cid == 0))
    def _():
        pltpu.sync_copy(acc_sh, out0_hbm)

    @pl.when((sid == 0) & (cid == 1))
    def _():
        pltpu.sync_copy(acc_sh, out1_hbm)


@functools.cache
def _sc_segment_sum():
    return pl.kernel(
        _scatter_body,
        out_type=(jax.ShapeDtypeStruct((N_NODES, H), jnp.float32),
                  jax.ShapeDtypeStruct((N_NODES, H), jnp.float32)),
        mesh=plsc.VectorSubcoreMesh(core_axis_name="c", subcore_axis_name="s",
                                    num_cores=NC, num_subcores=NS),
        scratch_types=[
            pltpu.VMEM((NCHUNKS, CHUNK), jnp.int32),
            pltpu.VMEM((NBUF, CHUNK, H), jnp.float32),
            pltpu.VMEM_SHARED((N_NODES, H), jnp.float32),
            pltpu.SemaphoreType.DMA((NBUF,)),
        ],
    )



BN = 1000


def _node_body(hv_ref, p0_ref, p1_ref, d1w_ref, d1b_ref, d2w_ref, d2b_ref,
               g1_ref, b1_ref, g2_ref, b2_ref, out_ref):
    dh = (p0_ref[...] + p1_ref[...]) * (1.0 / SCALE)
    x = hv_ref[...] + dh
    mu = jnp.mean(x, axis=-1, keepdims=True)
    var = jnp.mean((x - mu) ** 2, axis=-1, keepdims=True)
    h = (x - mu) * lax.rsqrt(var + 1e-5) * g1_ref[...] + b1_ref[...]
    f = _gelu(jnp.dot(h, d1w_ref[...], preferred_element_type=jnp.float32)
              + d1b_ref[...])
    dh2 = jnp.dot(f, d2w_ref[...], preferred_element_type=jnp.float32) + d2b_ref[...]
    x2 = h + dh2
    mu2 = jnp.mean(x2, axis=-1, keepdims=True)
    var2 = jnp.mean((x2 - mu2) ** 2, axis=-1, keepdims=True)
    out_ref[...] = (x2 - mu2) * lax.rsqrt(var2 + 1e-5) * g2_ref[...] + b2_ref[...]


def _node_update(h_V, p0, p1, d1_w, d1_b, d2_w, d2_b, ln1_g, ln1_b, ln2_g, ln2_b):
    grid = (N_NODES // BN,)
    full = lambda s: pl.BlockSpec(s, lambda i: (0, 0))
    blk = pl.BlockSpec((BN, H), lambda i: (i, 0))
    return pl.pallas_call(
        _node_body,
        grid=grid,
        in_specs=[
            blk, blk, blk,
            full((H, 4 * H)), full((1, 4 * H)),
            full((4 * H, H)), full((1, H)),
            full((1, H)), full((1, H)), full((1, H)), full((1, H)),
        ],
        out_specs=blk,
        out_shape=jax.ShapeDtypeStruct((N_NODES, H), jnp.float32),
    )(h_V, p0, p1, d1_w, d1_b.reshape(1, 4 * H), d2_w, d2_b.reshape(1, H),
      ln1_g.reshape(1, H), ln1_b.reshape(1, H),
      ln2_g.reshape(1, H), ln2_b.reshape(1, H))



def kernel(h_V, h_E, edge_idx, W1_w, W1_b, W2_w, W2_b, W3_w, W3_b,
           d1_w, d1_b, d2_w, d2_b, ln1_g, ln1_b, ln2_g, ln2_b):
    h_message = _edge_mlp(h_E, W1_w, W1_b, W2_w, W2_b, W3_w, W3_b)
    src = edge_idx[0].astype(jnp.int32).reshape(NW, NCHUNKS, CHUNK)
    zeros = jnp.zeros((N_NODES, H), jnp.float32)
    p0, p1 = _sc_segment_sum()(h_message, src, zeros)
    return _node_update(h_V, p0, p1, d1_w, d1_b, d2_w, d2_b,
                        ln1_g, ln1_b, ln2_g, ln2_b)

# --- scband reference (transcript-rebuilt; emitter-appended) ---
"""Pipeline reference for scband-mpnnlayer-32272384262602 (READ-ONLY COPY).

The authoritative reference and input builder live on the scoring server;
editing this copy changes nothing except your own understanding.
"""

import jax, jax.numpy as jnp
import numpy as np

N_NODES = 10000
N_EDGES = 320000
H = 128
NIN = 16
SCALE = 30.0


def _layer_norm(x, g, b, eps=1e-5):
    mu = jnp.mean(x, axis=-1, keepdims=True)
    var = jnp.mean((x - mu) ** 2, axis=-1, keepdims=True)
    return (x - mu) / jnp.sqrt(var + eps) * g + b


def setup_inputs(seed: int = 0) -> dict:
    key = jax.random.key(seed)
    ks = jax.random.split(key, 16)
    h_V = jax.random.normal(ks[0], (N_NODES, H), dtype=jnp.float32)
    h_E = jax.random.normal(ks[1], (N_EDGES, H + NIN), dtype=jnp.float32)
    edge_idx = jax.random.randint(ks[2], (2, N_EDGES), 0, N_NODES, dtype=jnp.int64 if jax.config.read('jax_enable_x64') else jnp.int32)
    s = 0.05
    params = {
        'W1_w': jax.random.normal(ks[3], (H + NIN, H), dtype=jnp.float32) * s,
        'W1_b': jnp.zeros((H,), dtype=jnp.float32),
        'W2_w': jax.random.normal(ks[4], (H, H), dtype=jnp.float32) * s,
        'W2_b': jnp.zeros((H,), dtype=jnp.float32),
        'W3_w': jax.random.normal(ks[5], (H, H), dtype=jnp.float32) * s,
        'W3_b': jnp.zeros((H,), dtype=jnp.float32),
        'd1_w': jax.random.normal(ks[6], (H, 4 * H), dtype=jnp.float32) * s,
        'd1_b': jnp.zeros((4 * H,), dtype=jnp.float32),
        'd2_w': jax.random.normal(ks[7], (4 * H, H), dtype=jnp.float32) * s,
        'd2_b': jnp.zeros((H,), dtype=jnp.float32),
        'ln1_g': jnp.ones((H,), dtype=jnp.float32),
        'ln1_b': jnp.zeros((H,), dtype=jnp.float32),
        'ln2_g': jnp.ones((H,), dtype=jnp.float32),
        'ln2_b': jnp.zeros((H,), dtype=jnp.float32),
    }
    out = {'h_V': h_V, 'h_E': h_E, 'edge_idx': edge_idx}
    out.update(params)
    return out


def reference(h_V, h_E, edge_idx, W1_w, W1_b, W2_w, W2_b, W3_w, W3_b,
              d1_w, d1_b, d2_w, d2_b, ln1_g, ln1_b, ln2_g, ln2_b):
    src_idx = edge_idx[0]
    # message MLP on edge features (dropout is identity at inference)
    m = jax.nn.gelu(h_E @ W1_w + W1_b, approximate=False)
    m = jax.nn.gelu(m @ W2_w + W2_b, approximate=False)
    h_message = m @ W3_w + W3_b
    # scatter-sum aggregation over source nodes
    dh = jax.ops.segment_sum(h_message, src_idx, num_segments=h_V.shape[0]) / SCALE
    h = _layer_norm(h_V + dh, ln1_g, ln1_b)
    # position-wise feed-forward
    dh2 = jax.nn.gelu(h @ d1_w + d1_b, approximate=False) @ d2_w + d2_b
    h = _layer_norm(h + dh2, ln2_g, ln2_b)
    return h

if __name__ == "__main__":
    import jax
    _d = setup_inputs()
    print(jax.jit(kernel)(*tuple(_d.values())))

</pallas_src>

<mosaic_0001>
#map = affine_map<(d0, d1) -> (0, 0)>
#map1 = affine_map<(d0, d1) -> (0, 0, 0)>
module attributes {stable_mosaic.version = 14 : i64} {
  func.func @_scatter_body(%arg0: i32, %arg1: i32, %arg2: memref<320000x128xf32, #tpu.memory_space<hbm>>, %arg3: memref<32x125x80xi32, #tpu.memory_space<hbm>>, %arg4: memref<10000x128xf32, #tpu.memory_space<hbm>>, %arg5: memref<10000x128xf32, #tpu.memory_space<hbm>>, %arg6: memref<10000x128xf32, #tpu.memory_space<hbm>>, %arg7: memref<125x80xi32, #tpu.memory_space<vmem>>, %arg8: memref<3x80x128xf32, #tpu.memory_space<vmem>>, %arg9: memref<10000x128xf32, #tpu.memory_space<vmem_shared>>, %arg10: memref<3x!tpu.dma_semaphore, #tpu.memory_space<semaphore_mem>>) attributes {dimension_semantics = [#tpu.dimension_semantics<core_parallel>, #tpu.dimension_semantics<subcore_parallel>], iteration_bounds = array<i64: 2, 16>, scalar_prefetch = 0 : i64, scratch_operands = 4 : i64, tpu.core_type = #tpu.core_type<sc_vector_subcore>, window_params = [{transform_indices = #map}, {transform_indices = #map1}, {transform_indices = #map}, {transform_indices = #map}, {transform_indices = #map}]} {
    %mul3A = arith.constant 16 : i32
    %mul3A_0 = arith.muli %arg0, %mul3A : i32
    %add3A = arith.addi %mul3A_0, %arg1 : i32
    %eq3A = arith.constant 0 : i32
    %eq3A_1 = arith.cmpi eq, %arg1, %eq3A : i32
    %convert_element_type3A = arith.extui %eq3A_1 : i1 to i32
    %cond3A = arith.constant 0 : i32
    %cond3A_2 = arith.cmpi ne, %convert_element_type3A, %cond3A : i32
    scf.if %cond3A_2 {
      "tpu.region"() ({
        %run_scoped3A = tpu.sem_alloc : memref<!tpu.dma_semaphore, #tpu.memory_space<semaphore_mem>>
        tpu.enqueue_dma source(%arg4 : memref<10000x128xf32, #tpu.memory_space<hbm>>) target(%arg9 : memref<10000x128xf32, #tpu.memory_space<vmem_shared>>) target_semaphore(%run_scoped3A : memref<!tpu.dma_semaphore, #tpu.memory_space<semaphore_mem>>)
        tpu.wait_dma2 semaphore(%run_scoped3A : memref<!tpu.dma_semaphore, #tpu.memory_space<semaphore_mem>>) src(%arg4 : memref<10000x128xf32, #tpu.memory_space<hbm>>) dst(%arg9 : memref<10000x128xf32, #tpu.memory_space<vmem_shared>>)
        tpu.yield
      }) : () -> ()
    } else {
    }
    "tpu.region"() ({
      %run_scoped3A = tpu.sem_alloc : memref<!tpu.dma_semaphore, #tpu.memory_space<semaphore_mem>>
      %dma_start3A_61 = arith.constant 0 : i32
      %dma_start3A_62 = arith.constant 0 : i32
      %dma_start3A_63 = tpu.memref_slice %arg3[%add3A, %dma_start3A_61, %dma_start3A_62] : memref<32x125x80xi32, #tpu.memory_space<hbm>> -> memref<1x125x80xi32, #tpu.memory_space<hbm>>
      %dma_start3A_64 = tpu.memref_squeeze %dma_start3A_63 : memref<1x125x80xi32, #tpu.memory_space<hbm>> -> memref<125x80xi32, #tpu.memory_space<hbm>>
      %dma_start3A_65 = arith.constant 0 : i32
      %dma_start3A_66 = arith.constant 0 : i32
      %dma_start3A_67 = tpu.memref_slice %arg3[%add3A, %dma_start3A_65, %dma_start3A_66] : memref<32x125x80xi32, #tpu.memory_space<hbm>> -> memref<1x125x80xi32, #tpu.memory_space<hbm>>
      %dma_start3A_68 = tpu.memref_squeeze %dma_start3A_67 : memref<1x125x80xi32, #tpu.memory_space<hbm>> -> memref<125x80xi32, #tpu.memory_space<hbm>>
      tpu.enqueue_dma source(%dma_start3A_68 : memref<125x80xi32, #tpu.memory_space<hbm>>) target(%arg7 : memref<125x80xi32, #tpu.memory_space<vmem>>) target_semaphore(%run_scoped3A : memref<!tpu.dma_semaphore, #tpu.memory_space<semaphore_mem>>)
      %dma_wait3A = arith.constant 0 : i32
      %dma_wait3A_69 = arith.constant 0 : i32
      %dma_wait3A_70 = tpu.memref_slice %arg3[%add3A, %dma_wait3A, %dma_wait3A_69] : memref<32x125x80xi32, #tpu.memory_space<hbm>> -> memref<1x125x80xi32, #tpu.memory_space<hbm>>
      %dma_wait3A_71 = tpu.memref_squeeze %dma_wait3A_70 : memref<1x125x80xi32, #tpu.memory_space<hbm>> -> memref<125x80xi32, #tpu.memory_space<hbm>>
      %dma_wait3A_72 = arith.constant 0 : i32
      %dma_wait3A_73 = arith.constant 0 : i32
      %dma_wait3A_74 = tpu.memref_slice %arg3[%add3A, %dma_wait3A_72, %dma_wait3A_73] : memref<32x125x80xi32, #tpu.memory_space<hbm>> -> memref<1x125x80xi32, #tpu.memory_space<hbm>>
      %dma_wait3A_75 = tpu.memref_squeeze %dma_wait3A_74 : memref<1x125x80xi32, #tpu.memory_space<hbm>> -> memref<125x80xi32, #tpu.memory_space<hbm>>
      tpu.wait_dma2 semaphore(%run_scoped3A : memref<!tpu.dma_semaphore, #tpu.memory_space<semaphore_mem>>) src(%dma_wait3A_75 : memref<125x80xi32, #tpu.memory_space<hbm>>) dst(%arg7 : memref<125x80xi32, #tpu.memory_space<vmem>>)
      tpu.yield
    }) : () -> ()
    %barrier3A = arith.constant 0 : index
    tpu.barrier barrier_id(%barrier3A)
    %mul3A_3 = arith.constant 10000 : i32
    %mul3A_4 = arith.muli %add3A, %mul3A_3 : i32
    %add3A_5 = arith.constant 0 : i32
    %add3A_6 = arith.addi %mul3A_4, %add3A_5 : i32
    %dma_start3A = arith.constant 0 : i32
    %dma_start3A_7 = arith.constant 0 : i32
    %dma_start3A_8 = arith.constant 0 : i32
    %dma_start3A_9 = arith.constant 0 : i32
    %dma_start3A_10 = tpu.memref_slice %arg8[%dma_start3A, %dma_start3A_8, %dma_start3A_9] : memref<3x80x128xf32, #tpu.memory_space<vmem>> -> memref<1x80x128xf32, #tpu.memory_space<vmem>>
    %dma_start3A_11 = tpu.memref_squeeze %dma_start3A_10 : memref<1x80x128xf32, #tpu.memory_space<vmem>> -> memref<80x128xf32, #tpu.memory_space<vmem>>
    %dma_start3A_12 = arith.constant 0 : i32
    %dma_start3A_13 = tpu.memref_slice %arg2[%add3A_6, %dma_start3A_12] : memref<320000x128xf32, #tpu.memory_space<hbm>> -> memref<80x128xf32, #tpu.memory_space<hbm>>
    %dma_start3A_14 = tpu.memref_slice %arg10[%dma_start3A_7] : memref<3x!tpu.dma_semaphore, #tpu.memory_space<semaphore_mem>> -> memref<1x!tpu.dma_semaphore, #tpu.memory_space<semaphore_mem>>
    %dma_start3A_15 = tpu.memref_squeeze %dma_start3A_14 : memref<1x!tpu.dma_semaphore, #tpu.memory_space<semaphore_mem>> -> memref<!tpu.dma_semaphore, #tpu.memory_space<semaphore_mem>>
    %dma_start3A_16 = arith.constant 0 : i32
    %dma_start3A_17 = arith.constant 0 : i32
    %dma_start3A_18 = tpu.memref_slice %arg8[%dma_start3A, %dma_start3A_16, %dma_start3A_17] : memref<3x80x128xf32, #tpu.memory_space<vmem>> -> memref<1x80x128xf32, #tpu.memory_space<vmem>>
    %dma_start3A_19 = tpu.memref_squeeze %dma_start3A_18 : memref<1x80x128xf32, #tpu.memory_space<vmem>> -> memref<80x128xf32, #tpu.memory_space<vmem>>
    %dma_start3A_20 = arith.constant 0 : i32
    %dma_start3A_21 = tpu.memref_slice %arg2[%add3A_6, %dma_start3A_20] : memref<320000x128xf32, #tpu.memory_space<hbm>> -> memref<80x128xf32, #tpu.memory_space<hbm>>
    tpu.enqueue_dma source(%dma_start3A_21 : memref<80x128xf32, #tpu.memory_space<hbm>>) target(%dma_start3A_19 : memref<80x128xf32, #tpu.memory_space<vmem>>) target_semaphore(%dma_start3A_15 : memref<!tpu.dma_semaphore, #tpu.memory_space<semaphore_mem>>)
    %add3A_22 = arith.constant 80 : i32
    %add3A_23 = arith.addi %mul3A_4, %add3A_22 : i32
    %dma_start3A_24 = arith.constant 1 : i32
    %dma_start3A_25 = arith.constant 1 : i32
    %dma_start3A_26 = arith.constant 0 : i32
    %dma_start3A_27 = arith.constant 0 : i32
    %dma_start3A_28 = tpu.memref_slice %arg8[%dma_start3A_24, %dma_start3A_26, %dma_start3A_27] : memref<3x80x128xf32, #tpu.memory_space<vmem>> -> memref<1x80x128xf32, #tpu.memory_space<vmem>>
    %dma_start3A_29 = tpu.memref_squeeze %dma_start3A_28 : memref<1x80x128xf32, #tpu.memory_space<vmem>> -> memref<80x128xf32, #tpu.memory_space<vmem>>
    %dma_start3A_30 = arith.constant 0 : i32
    %dma_start3A_31 = tpu.memref_slice %arg2[%add3A_23, %dma_start3A_30] : memref<320000x128xf32, #tpu.memory_space<hbm>> -> memref<80x128xf32, #tpu.memory_space<hbm>>
    %dma_start3A_32 = tpu.memref_slice %arg10[%dma_start3A_25] : memref<3x!tpu.dma_semaphore, #tpu.memory_space<semaphore_mem>> -> memref<1x!tpu.dma_semaphore, #tpu.memory_space<semaphore_mem>>
    %dma_start3A_33 = tpu.memref_squeeze %dma_start3A_32 : memref<1x!tpu.dma_semaphore, #tpu.memory_space<semaphore_mem>> -> memref<!tpu.dma_semaphore, #tpu.memory_space<semaphore_mem>>
    %dma_start3A_34 = arith.constant 0 : i32
    %dma_start3A_35 = arith.constant 0 : i32
    %dma_start3A_36 = tpu.memref_slice %arg8[%dma_start3A_24, %dma_start3A_34, %dma_start3A_35] : memref<3x80x128xf32, #tpu.memory_space<vmem>> -> memref<1x80x128xf32, #tpu.memory_space<vmem>>
    %dma_start3A_37 = tpu.memref_squeeze %dma_start3A_36 : memref<1x80x128xf32, #tpu.memory_space<vmem>> -> memref<80x128xf32, #tpu.memory_space<vmem>>
    %dma_start3A_38 = arith.constant 0 : i32
    %dma_start3A_39 = tpu.memref_slice %arg2[%add3A_23, %dma_start3A_38] : memref<320000x128xf32, #tpu.memory_space<hbm>> -> memref<80x128xf32, #tpu.memory_space<hbm>>
    tpu.enqueue_dma source(%dma_start3A_39 : memref<80x128xf32, #tpu.memory_space<hbm>>) target(%dma_start3A_37 : memref<80x128xf32, #tpu.memory_space<vmem>>) target_semaphore(%dma_start3A_33 : memref<!tpu.dma_semaphore, #tpu.memory_space<semaphore_mem>>)
    %scan3A = arith.constant 0 : i32
    %scan3A_40 = arith.constant 0 : i32
    %scan3A_41 = arith.constant 125 : i32
    %scan3A_42 = arith.addi %scan3A_40, %scan3A_41 : i32
    %scan3A_43 = arith.constant 1 : i32
    scf.for %scan3A_61 = %scan3A_40 to %scan3A_42 step %scan3A_43  : i32 {
      %rem3A = arith.constant 3 : i32
      %rem3A_62 = arith.remsi %scan3A_61, %rem3A : i32
      %add3A_63 = arith.constant 2 : i32
      %add3A_64 = arith.addi %scan3A_61, %add3A_63 : i32
      %lt3A = arith.constant 125 : i32
      %lt3A_65 = arith.cmpi slt, %add3A_64, %lt3A : i32
      %convert_element_type3A_66 = arith.extui %lt3A_65 : i1 to i32
      %cond3A_67 = arith.constant 0 : i32
      %cond3A_68 = arith.cmpi ne, %convert_element_type3A_66, %cond3A_67 : i32
      scf.if %cond3A_68 {
        %rem3A_85 = arith.constant 3 : i32
        %rem3A_86 = arith.remsi %add3A_64, %rem3A_85 : i32
        %mul3A_87 = arith.constant 80 : i32
        %mul3A_88 = arith.muli %add3A_64, %mul3A_87 : i32
        %add3A_89 = arith.addi %mul3A_4, %mul3A_88 : i32
        %dma_start3A_90 = arith.constant 0 : i32
        %dma_start3A_91 = arith.constant 0 : i32
        %dma_start3A_92 = tpu.memref_slice %arg8[%rem3A_86, %dma_start3A_90, %dma_start3A_91] : memref<3x80x128xf32, #tpu.memory_space<vmem>> -> memref<1x80x128xf32, #tpu.memory_space<vmem>>
        %dma_start3A_93 = tpu.memref_squeeze %dma_start3A_92 : memref<1x80x128xf32, #tpu.memory_space<vmem>> -> memref<80x128xf32, #tpu.memory_space<vmem>>
        %dma_start3A_94 = arith.constant 0 : i32
        %dma_start3A_95 = tpu.memref_slice %arg2[%add3A_89, %dma_start3A_94] : memref<320000x128xf32, #tpu.memory_space<hbm>> -> memref<80x128xf32, #tpu.memory_space<hbm>>
        %dma_start3A_96 = tpu.memref_slice %arg10[%rem3A_86] : memref<3x!tpu.dma_semaphore, #tpu.memory_space<semaphore_mem>> -> memref<1x!tpu.dma_semaphore, #tpu.memory_space<semaphore_mem>>
        %dma_start3A_97 = tpu.memref_squeeze %dma_start3A_96 : memref<1x!tpu.dma_semaphore, #tpu.memory_space<semaphore_mem>> -> memref<!tpu.dma_semaphore, #tpu.memory_space<semaphore_mem>>
        %dma_start3A_98 = arith.constant 0 : i32
        %dma_start3A_99 = arith.constant 0 : i32
        %dma_start3A_100 = tpu.memref_slice %arg8[%rem3A_86, %dma_start3A_98, %dma_start3A_99] : memref<3x80x128xf32, #tpu.memory_space<vmem>> -> memref<1x80x128xf32, #tpu.memory_space<vmem>>
        %dma_start3A_101 = tpu.memref_squeeze %dma_start3A_100 : memref<1x80x128xf32, #tpu.memory_space<vmem>> -> memref<80x128xf32, #tpu.memory_space<vmem>>
        %dma_start3A_102 = arith.constant 0 : i32
        %dma_start3A_103 = tpu.memref_slice %arg2[%add3A_89, %dma_start3A_102] : memref<320000x128xf32, #tpu.memory_space<hbm>> -> memref<80x128xf32, #tpu.memory_space<hbm>>
        tpu.enqueue_dma source(%dma_start3A_103 : memref<80x128xf32, #tpu.memory_space<hbm>>) target(%dma_start3A_101 : memref<80x128xf32, #tpu.memory_space<vmem>>) target_semaphore(%dma_start3A_97 : memref<!tpu.dma_semaphore, #tpu.memory_space<semaphore_mem>>)
      } else {
      }
      %mul3A_69 = arith.constant 80 : i32
      %mul3A_70 = arith.muli %scan3A_61, %mul3A_69 : i32
      %add3A_71 = arith.addi %mul3A_4, %mul3A_70 : i32
      %dma_wait3A = arith.constant 0 : i32
      %dma_wait3A_72 = arith.constant 0 : i32
      %dma_wait3A_73 = tpu.memref_slice %arg8[%rem3A_62, %dma_wait3A, %dma_wait3A_72] : memref<3x80x128xf32, #tpu.memory_space<vmem>> -> memref<1x80x128xf32, #tpu.memory_space<vmem>>
      %dma_wait3A_74 = tpu.memref_squeeze %dma_wait3A_73 : memref<1x80x128xf32, #tpu.memory_space<vmem>> -> memref<80x128xf32, #tpu.memory_space<vmem>>
      %dma_wait3A_75 = arith.constant 0 : i32
      %dma_wait3A_76 = tpu.memref_slice %arg2[%add3A_71, %dma_wait3A_75] : memref<320000x128xf32, #tpu.memory_space<hbm>> -> memref<80x128xf32, #tpu.memory_space<hbm>>
      %dma_wait3A_77 = tpu.memref_slice %arg10[%rem3A_62] : memref<3x!tpu.dma_semaphore, #tpu.memory_space<semaphore_mem>> -> memref<1x!tpu.dma_semaphore, #tpu.memory_space<semaphore_mem>>
      %dma_wait3A_78 = tpu.memref_squeeze %dma_wait3A_77 : memref<1x!tpu.dma_semaphore, #tpu.memory_space<semaphore_mem>> -> memref<!tpu.dma_semaphore, #tpu.memory_space<semaphore_mem>>
      %dma_wait3A_79 = arith.constant 0 : i32
      %dma_wait3A_80 = arith.constant 0 : i32
      %dma_wait3A_81 = tpu.memref_slice %arg8[%rem3A_62, %dma_wait3A_79, %dma_wait3A_80] : memref<3x80x128xf32, #tpu.memory_space<vmem>> -> memref<1x80x128xf32, #tpu.memory_space<vmem>>
      %dma_wait3A_82 = tpu.memref_squeeze %dma_wait3A_81 : memref<1x80x128xf32, #tpu.memory_space<vmem>> -> memref<80x128xf32, #tpu.memory_space<vmem>>
      %dma_wait3A_83 = arith.constant 0 : i32
      %dma_wait3A_84 = tpu.memref_slice %arg2[%add3A_71, %dma_wait3A_83] : memref<320000x128xf32, #tpu.memory_space<hbm>> -> memref<80x128xf32, #tpu.memory_space<hbm>>
      tpu.wait_dma2 semaphore(%dma_wait3A_78 : memref<!tpu.dma_semaphore, #tpu.memory_space<semaphore_mem>>) src(%dma_wait3A_84 : memref<80x128xf32, #tpu.memory_space<hbm>>) dst(%dma_wait3A_82 : memref<80x128xf32, #tpu.memory_space<vmem>>)
      "tpu.region"() ({
        %run_scoped3A = tpu.sem_alloc : memref<!tpu.dma_semaphore, #tpu.memory_space<semaphore_mem>>
        %dma_start3A_85 = arith.constant 0 : i32
        %dma_start3A_86 = arith.constant 0 : i32
        %dma_start3A_87 = tpu.memref_slice %arg8[%rem3A_62, %dma_start3A_85, %dma_start3A_86] : memref<3x80x128xf32, #tpu.memory_space<vmem>> -> memref<1x80x128xf32, #tpu.memory_space<vmem>>
        %dma_start3A_88 = tpu.memref_squeeze %dma_start3A_87 : memref<1x80x128xf32, #tpu.memory_space<vmem>> -> memref<80x128xf32, #tpu.memory_space<vmem>>
        %dma_start3A_89 = arith.constant 0 : i32
        %dma_start3A_90 = tpu.memref_slice %arg7[%scan3A_61, %dma_start3A_89] : memref<125x80xi32, #tpu.memory_space<vmem>> -> memref<1x80xi32, #tpu.memory_space<vmem>>
        %dma_start3A_91 = tpu.memref_squeeze %dma_start3A_90 : memref<1x80xi32, #tpu.memory_space<vmem>> -> memref<80xi32, #tpu.memory_space<vmem>>
        %dma_start3A_92 = arith.constant 0 : i32
        %dma_start3A_93 = arith.constant 0 : i32
        %dma_start3A_94 = tpu.memref_slice %arg9[%dma_start3A_92, %dma_start3A_93] : memref<10000x128xf32, #tpu.memory_space<vmem_shared>> -> memref<10000x128xf32, #tpu.memory_space<vmem_shared>>
        tpu.enqueue_indirect_dma source(%dma_start3A_88 : memref<80x128xf32, #tpu.memory_space<vmem>>) target(%dma_start3A_94 : memref<10000x128xf32, #tpu.memory_space<vmem_shared>>) offsets(%dma_start3A_91 : memref<80xi32, #tpu.memory_space<vmem>>) semaphore(%run_scoped3A : memref<!tpu.dma_semaphore, #tpu.memory_space<semaphore_mem>>) {add = true}
        %dma_wait3A_95 = arith.constant 0 : i32
        %dma_wait3A_96 = arith.constant 0 : i32
        %dma_wait3A_97 = tpu.memref_slice %arg8[%rem3A_62, %dma_wait3A_95, %dma_wait3A_96] : memref<3x80x128xf32, #tpu.memory_space<vmem>> -> memref<1x80x128xf32, #tpu.memory_space<vmem>>
        %dma_wait3A_98 = tpu.memref_squeeze %dma_wait3A_97 : memref<1x80x128xf32, #tpu.memory_space<vmem>> -> memref<80x128xf32, #tpu.memory_space<vmem>>
        %dma_wait3A_99 = arith.constant 0 : i32
        %dma_wait3A_100 = tpu.memref_slice %arg7[%scan3A_61, %dma_wait3A_99] : memref<125x80xi32, #tpu.memory_space<vmem>> -> memref<1x80xi32, #tpu.memory_space<vmem>>
        %dma_wait3A_101 = tpu.memref_squeeze %dma_wait3A_100 : memref<1x80xi32, #tpu.memory_space<vmem>> -> memref<80xi32, #tpu.memory_space<vmem>>
        %dma_wait3A_102 = arith.constant 0 : i32
        %dma_wait3A_103 = arith.constant 0 : i32
        %dma_wait3A_104 = tpu.memref_slice %arg9[%dma_wait3A_102, %dma_wait3A_103] : memref<10000x128xf32, #tpu.memory_space<vmem_shared>> -> memref<10000x128xf32, #tpu.memory_space<vmem_shared>>
        tpu.wait_indirect_dma semaphore(%run_scoped3A : memref<!tpu.dma_semaphore, #tpu.memory_space<semaphore_mem>>) src(%dma_wait3A_98 : memref<80x128xf32, #tpu.memory_space<vmem>>) dst(%dma_wait3A_104 : memref<10000x128xf32, #tpu.memory_space<vmem_shared>>)
        tpu.yield
      }) : () -> ()
    }
    %scan3A_44 = arith.constant 125 : i32
    %barrier3A_45 = arith.constant 0 : index
    tpu.barrier barrier_id(%barrier3A_45)
    %eq3A_46 = arith.constant 0 : i32
    %eq3A_47 = arith.cmpi eq, %arg1, %eq3A_46 : i32
    %eq3A_48 = arith.constant 0 : i32
    %eq3A_49 = arith.cmpi eq, %arg0, %eq3A_48 : i32
    %and3A = arith.andi %eq3A_47, %eq3A_49 : i1
    %convert_element_type3A_50 = arith.extui %and3A : i1 to i32
    %cond3A_51 = arith.constant 0 : i32
    %cond3A_52 = arith.cmpi ne, %convert_element_type3A_50, %cond3A_51 : i32
    scf.if %cond3A_52 {
      "tpu.region"() ({
        %run_scoped3A = tpu.sem_alloc : memref<!tpu.dma_semaphore, #tpu.memory_space<semaphore_mem>>
        tpu.enqueue_dma source(%arg9 : memref<10000x128xf32, #tpu.memory_space<vmem_shared>>) target(%arg5 : memref<10000x128xf32, #tpu.memory_space<hbm>>) target_semaphore(%run_scoped3A : memref<!tpu.dma_semaphore, #tpu.memory_space<semaphore_mem>>)
        tpu.wait_dma2 semaphore(%run_scoped3A : memref<!tpu.dma_semaphore, #tpu.memory_space<semaphore_mem>>) src(%arg9 : memref<10000x128xf32, #tpu.memory_space<vmem_shared>>) dst(%arg5 : memref<10000x128xf32, #tpu.memory_space<hbm>>)
        tpu.yield
      }) : () -> ()
    } else {
    }
    %eq3A_53 = arith.constant 0 : i32
    %eq3A_54 = arith.cmpi eq, %arg1, %eq3A_53 : i32
    %eq3A_55 = arith.constant 1 : i32
    %eq3A_56 = arith.cmpi eq, %arg0, %eq3A_55 : i32
    %and3A_57 = arith.andi %eq3A_54, %eq3A_56 : i1
    %convert_element_type3A_58 = arith.extui %and3A_57 : i1 to i32
    %cond3A_59 = arith.constant 0 : i32
    %cond3A_60 = arith.cmpi ne, %convert_element_type3A_58, %cond3A_59 : i32
    scf.if %cond3A_60 {
      "tpu.region"() ({
        %run_scoped3A = tpu.sem_alloc : memref<!tpu.dma_semaphore, #tpu.memory_space<semaphore_mem>>
        tpu.enqueue_dma source(%arg9 : memref<10000x128xf32, #tpu.memory_space<vmem_shared>>) target(%arg6 : memref<10000x128xf32, #tpu.memory_space<hbm>>) target_semaphore(%run_scoped3A : memref<!tpu.dma_semaphore, #tpu.memory_space<semaphore_mem>>)
        tpu.wait_dma2 semaphore(%run_scoped3A : memref<!tpu.dma_semaphore, #tpu.memory_space<semaphore_mem>>) src(%arg9 : memref<10000x128xf32, #tpu.memory_space<vmem_shared>>) dst(%arg6 : memref<10000x128xf32, #tpu.memory_space<hbm>>)
        tpu.yield
      }) : () -> ()
    } else {
    }
    return
  }
}

module attributes {stable_mosaic.version = 14 : i64} {
  func.func @_edge_mlp_body(%arg0: i32, %arg1: memref<1280x128xf32, #tpu.memory_space<vmem>>, %arg2: memref<1280x16xf32, #tpu.memory_space<vmem>>, %arg3: memref<128x128xf32, #tpu.memory_space<vmem>>, %arg4: memref<16x128xf32, #tpu.memory_space<vmem>>, %arg5: memref<1x128xf32, #tpu.memory_space<vmem>>, %arg6: memref<128x128xf32, #tpu.memory_space<vmem>>, %arg7: memref<1x128xf32, #tpu.memory_space<vmem>>, %arg8: memref<128x128xf32, #tpu.memory_space<vmem>>, %arg9: memref<1x128xf32, #tpu.memory_space<vmem>>, %arg10: memref<1280x128xf32, #tpu.memory_space<vmem>>) attributes {dimension_semantics = [#tpu.dimension_semantics<arbitrary>], iteration_bounds = array<i64: 250>, scalar_prefetch = 0 : i64, scratch_operands = 0 : i64, tpu.core_type = #tpu.core_type<tc>, window_params = [{transform_indices = @transform_0, window_bounds = array<i64: 1280, 128>}, {transform_indices = @transform_1, window_bounds = array<i64: 1280, 16>}, {pipeline_mode = #tpu.pipeline_mode<synchronous>, transform_indices = @transform_2, window_bounds = array<i64: 128, 128>}, {pipeline_mode = #tpu.pipeline_mode<synchronous>, transform_indices = @transform_3, window_bounds = array<i64: 16, 128>}, {pipeline_mode = #tpu.pipeline_mode<synchronous>, transform_indices = @transform_4, window_bounds = array<i64: 1, 128>}, {pipeline_mode = #tpu.pipeline_mode<synchronous>, transform_indices = @transform_5, window_bounds = array<i64: 128, 128>}, {pipeline_mode = #tpu.pipeline_mode<synchronous>, transform_indices = @transform_6, window_bounds = array<i64: 1, 128>}, {pipeline_mode = #tpu.pipeline_mode<synchronous>, transform_indices = @transform_7, window_bounds = array<i64: 128, 128>}, {pipeline_mode = #tpu.pipeline_mode<synchronous>, transform_indices = @transform_8, window_bounds = array<i64: 1, 128>}, {transform_indices = @transform_9, window_bounds = array<i64: 1280, 128>}]} {
    %get3A = arith.constant 0 : index
    %get3A_0 = arith.constant 0 : index
    %get3A_1 = vector.load %arg1[%get3A, %get3A_0] : memref<1280x128xf32, #tpu.memory_space<vmem>>, vector<1280x128xf32>
    %get3A_2 = arith.constant 0 : index
    %get3A_3 = arith.constant 0 : index
    %get3A_4 = vector.load %arg2[%get3A_2, %get3A_3] : memref<1280x16xf32, #tpu.memory_space<vmem>>, vector<1280x16xf32>
    %get3A_5 = arith.constant 0 : index
    %get3A_6 = arith.constant 0 : index
    %get3A_7 = vector.load %arg3[%get3A_5, %get3A_6] : memref<128x128xf32, #tpu.memory_space<vmem>>, vector<128x128xf32>
    %dot_general3A = arith.constant dense<0.000000e+00> : vector<1280x128xf32>
    %dot_general3A_8 = tpu.matmul %get3A_1, %get3A_7, %dot_general3A {dimension_numbers = #tpu.dot_dimension_numbers<[1], [0], [0], [1], [0, 0, 1, 1], [], []>, transpose_lhs_hint = false} : vector<1280x128xf32>, vector<128x128xf32>, vector<1280x128xf32> -> vector<1280x128xf32>
    %get3A_9 = arith.constant 0 : index
    %get3A_10 = arith.constant 0 : index
    %get3A_11 = vector.load %arg4[%get3A_9, %get3A_10] : memref<16x128xf32, #tpu.memory_space<vmem>>, vector<16x128xf32>
    %dot_general3A_12 = arith.constant dense<0.000000e+00> : vector<1280x128xf32>
    %dot_general3A_13 = tpu.matmul %get3A_4, %get3A_11, %dot_general3A_12 {dimension_numbers = #tpu.dot_dimension_numbers<[1], [0], [0], [1], [0, 0, 1, 1], [], []>, transpose_lhs_hint = false} : vector<1280x16xf32>, vector<16x128xf32>, vector<1280x128xf32> -> vector<1280x128xf32>
    %add3A = arith.addf %dot_general3A_8, %dot_general3A_13 : vector<1280x128xf32>
    %get3A_14 = arith.constant 0 : index
    %get3A_15 = arith.constant 0 : index
    %get3A_16 = vector.load %arg5[%get3A_14, %get3A_15] : memref<1x128xf32, #tpu.memory_space<vmem>>, vector<1x128xf32>
    %add3A_17 = vector.broadcast %get3A_16 : vector<1x128xf32> to vector<1280x128xf32>
    %add3A_18 = arith.addf %add3A, %add3A_17 : vector<1280x128xf32>
    %mul3A = arith.constant 5.000000e-01 : f32
    %mul3A_19 = vector.broadcast %mul3A : f32 to vector<1280x128xf32>
    %mul3A_20 = arith.mulf %mul3A_19, %add3A_18 : vector<1280x128xf32>
    %mul3A_21 = arith.constant 0.707106769 : f32
    %mul3A_22 = vector.broadcast %mul3A_21 : f32 to vector<1280x128xf32>
    %mul3A_23 = arith.mulf %add3A_18, %mul3A_22 : vector<1280x128xf32>
    %erf3A = math.erf %mul3A_23 : vector<1280x128xf32>
    %add3A_24 = arith.constant 1.000000e+00 : f32
    %add3A_25 = vector.broadcast %add3A_24 : f32 to vector<1280x128xf32>
    %add3A_26 = arith.addf %add3A_25, %erf3A : vector<1280x128xf32>
    %mul3A_27 = arith.mulf %mul3A_20, %add3A_26 : vector<1280x128xf32>
    %get3A_28 = arith.constant 0 : index
    %get3A_29 = arith.constant 0 : index
    %get3A_30 = vector.load %arg6[%get3A_28, %get3A_29] : memref<128x128xf32, #tpu.memory_space<vmem>>, vector<128x128xf32>
    %dot_general3A_31 = arith.constant dense<0.000000e+00> : vector<1280x128xf32>
    %dot_general3A_32 = tpu.matmul %mul3A_27, %get3A_30, %dot_general3A_31 {dimension_numbers = #tpu.dot_dimension_numbers<[1], [0], [0], [1], [0, 0, 1, 1], [], []>, transpose_lhs_hint = false} : vector<1280x128xf32>, vector<128x128xf32>, vector<1280x128xf32> -> vector<1280x128xf32>
    %get3A_33 = arith.constant 0 : index
    %get3A_34 = arith.constant 0 : index
    %get3A_35 = vector.load %arg7[%get3A_33, %get3A_34] : memref<1x128xf32, #tpu.memory_space<vmem>>, vector<1x128xf32>
    %add3A_36 = vector.broadcast %get3A_35 : vector<1x128xf32> to vector<1280x128xf32>
    %add3A_37 = arith.addf %dot_general3A_32, %add3A_36 : vector<1280x128xf32>
    %mul3A_38 = arith.constant 5.000000e-01 : f32
    %mul3A_39 = vector.broadcast %mul3A_38 : f32 to vector<1280x128xf32>
    %mul3A_40 = arith.mulf %mul3A_39, %add3A_37 : vector<1280x128xf32>
    %mul3A_41 = arith.constant 0.707106769 : f32
    %mul3A_42 = vector.broadcast %mul3A_41 : f32 to vector<1280x128xf32>
    %mul3A_43 = arith.mulf %add3A_37, %mul3A_42 : vector<1280x128xf32>
    %erf3A_44 = math.erf %mul3A_43 : vector<1280x128xf32>
    %add3A_45 = arith.constant 1.000000e+00 : f32
    %add3A_46 = vector.broadcast %add3A_45 : f32 to vector<1280x128xf32>
    %add3A_47 = arith.addf %add3A_46, %erf3A_44 : vector<1280x128xf32>
    %mul3A_48 = arith.mulf %mul3A_40, %add3A_47 : vector<1280x128xf32>
    %get3A_49 = arith.constant 0 : index
    %get3A_50 = arith.constant 0 : index
    %get3A_51 = vector.load %arg8[%get3A_49, %get3A_50] : memref<128x128xf32, #tpu.memory_space<vmem>>, vector<128x128xf32>
    %dot_general3A_52 = arith.constant dense<0.000000e+00> : vector<1280x128xf32>
    %dot_general3A_53 = tpu.matmul %mul3A_48, %get3A_51, %dot_general3A_52 {dimension_numbers = #tpu.dot_dimension_numbers<[1], [0], [0], [1], [0, 0, 1, 1], [], []>, transpose_lhs_hint = false} : vector<1280x128xf32>, vector<128x128xf32>, vector<1280x128xf32> -> vector<1280x128xf32>
    %get3A_54 = arith.constant 0 : index
    %get3A_55 = arith.constant 0 : index
    %get3A_56 = vector.load %arg9[%get3A_54, %get3A_55] : memref<1x128xf32, #tpu.memory_space<vmem>>, vector<1x128xf32>
    %add3A_57 = vector.broadcast %get3A_56 : vector<1x128xf32> to vector<1280x128xf32>
    %add3A_58 = arith.addf %dot_general3A_53, %add3A_57 : vector<1280x128xf32>
    %swap3A = arith.constant 0 : index
    %swap3A_59 = arith.constant 0 : index
    %swap3A_60 = vector.load %arg10[%swap3A, %swap3A_59] : memref<1280x128xf32, #tpu.memory_space<vmem>>, vector<1280x128xf32>
    tpu.vector_store %arg10[%swap3A, %swap3A_59], %add3A_58 {strides = array<i32>} : memref<1280x128xf32, #tpu.memory_space<vmem>>, vector<1280x128xf32>,
    return
  }
  func.func @transform_0(%arg0: i32) -> (i32, i32) {
    %c0_i32 = arith.constant 0 : i32
    %c0_i32_0 = arith.constant 0 : i32
    return %arg0, %c0_i32 : i32, i32
  }
  func.func @transform_1(%arg0: i32) -> (i32, i32) {
    %c0_i32 = arith.constant 0 : i32
    %c0_i32_0 = arith.constant 0 : i32
    return %arg0, %c0_i32 : i32, i32
  }
  func.func @transform_2(%arg0: i32) -> (i32, i32) {
    %c0_i32 = arith.constant 0 : i32
    %c0_i32_0 = arith.constant 0 : i32
    %c0_i32_1 = arith.constant 0 : i32
    return %c0_i32, %c0_i32_0 : i32, i32
  }
  func.func @transform_3(%arg0: i32) -> (i32, i32) {
    %c0_i32 = arith.constant 0 : i32
    %c0_i32_0 = arith.constant 0 : i32
    %c0_i32_1 = arith.constant 0 : i32
    return %c0_i32, %c0_i32_0 : i32, i32
  }
  func.func @transform_4(%arg0: i32) -> (i32, i32) {
    %c0_i32 = arith.constant 0 : i32
    %c0_i32_0 = arith.constant 0 : i32
    %c0_i32_1 = arith.constant 0 : i32
    return %c0_i32, %c0_i32_0 : i32, i32
  }
  func.func @transform_5(%arg0: i32) -> (i32, i32) {
    %c0_i32 = arith.constant 0 : i32
    %c0_i32_0 = arith.constant 0 : i32
    %c0_i32_1 = arith.constant 0 : i32
    return %c0_i32, %c0_i32_0 : i32, i32
  }
  func.func @transform_6(%arg0: i32) -> (i32, i32) {
    %c0_i32 = arith.constant 0 : i32
    %c0_i32_0 = arith.constant 0 : i32
    %c0_i32_1 = arith.constant 0 : i32
    return %c0_i32, %c0_i32_0 : i32, i32
  }
  func.func @transform_7(%arg0: i32) -> (i32, i32) {
    %c0_i32 = arith.constant 0 : i32
    %c0_i32_0 = arith.constant 0 : i32
    %c0_i32_1 = arith.constant 0 : i32
    return %c0_i32, %c0_i32_0 : i32, i32
  }
  func.func @transform_8(%arg0: i32) -> (i32, i32) {
    %c0_i32 = arith.constant 0 : i32
    %c0_i32_0 = arith.constant 0 : i32
    %c0_i32_1 = arith.constant 0 : i32
    return %c0_i32, %c0_i32_0 : i32, i32
  }
  func.func @transform_9(%arg0: i32) -> (i32, i32) {
    %c0_i32 = arith.constant 0 : i32
    %c0_i32_0 = arith.constant 0 : i32
    return %arg0, %c0_i32 : i32, i32
  }
}

module attributes {stable_mosaic.version = 14 : i64} {
  func.func @_node_body(%arg0: i32, %arg1: memref<1000x128xf32, #tpu.memory_space<vmem>>, %arg2: memref<1000x128xf32, #tpu.memory_space<vmem>>, %arg3: memref<1000x128xf32, #tpu.memory_space<vmem>>, %arg4: memref<128x512xf32, #tpu.memory_space<vmem>>, %arg5: memref<1x512xf32, #tpu.memory_space<vmem>>, %arg6: memref<512x128xf32, #tpu.memory_space<vmem>>, %arg7: memref<1x128xf32, #tpu.memory_space<vmem>>, %arg8: memref<1x128xf32, #tpu.memory_space<vmem>>, %arg9: memref<1x128xf32, #tpu.memory_space<vmem>>, %arg10: memref<1x128xf32, #tpu.memory_space<vmem>>, %arg11: memref<1x128xf32, #tpu.memory_space<vmem>>, %arg12: memref<1000x128xf32, #tpu.memory_space<vmem>>) attributes {dimension_semantics = [#tpu.dimension_semantics<arbitrary>], iteration_bounds = array<i64: 10>, scalar_prefetch = 0 : i64, scratch_operands = 0 : i64, tpu.core_type = #tpu.core_type<tc>, window_params = [{transform_indices = @transform_0, window_bounds = array<i64: 1000, 128>}, {transform_indices = @transform_1, window_bounds = array<i64: 1000, 128>}, {transform_indices = @transform_2, window_bounds = array<i64: 1000, 128>}, {pipeline_mode = #tpu.pipeline_mode<synchronous>, transform_indices = @transform_3, window_bounds = array<i64: 128, 512>}, {pipeline_mode = #tpu.pipeline_mode<synchronous>, transform_indices = @transform_4, window_bounds = array<i64: 1, 512>}, {pipeline_mode = #tpu.pipeline_mode<synchronous>, transform_indices = @transform_5, window_bounds = array<i64: 512, 128>}, {pipeline_mode = #tpu.pipeline_mode<synchronous>, transform_indices = @transform_6, window_bounds = array<i64: 1, 128>}, {pipeline_mode = #tpu.pipeline_mode<synchronous>, transform_indices = @transform_7, window_bounds = array<i64: 1, 128>}, {pipeline_mode = #tpu.pipeline_mode<synchronous>, transform_indices = @transform_8, window_bounds = array<i64: 1, 128>}, {pipeline_mode = #tpu.pipeline_mode<synchronous>, transform_indices = @transform_9, window_bounds = array<i64: 1, 128>}, {pipeline_mode = #tpu.pipeline_mode<synchronous>, transform_indices = @transform_10, window_bounds = array<i64: 1, 128>}, {transform_indices = @transform_11, window_bounds = array<i64: 1000, 128>}]} {
    %get3A = arith.constant 0 : index
    %get3A_0 = arith.constant 0 : index
    %get3A_1 = vector.load %arg2[%get3A, %get3A_0] : memref<1000x128xf32, #tpu.memory_space<vmem>>, vector<1000x128xf32>
    %get3A_2 = arith.constant 0 : index
    %get3A_3 = arith.constant 0 : index
    %get3A_4 = vector.load %arg3[%get3A_2, %get3A_3] : memref<1000x128xf32, #tpu.memory_space<vmem>>, vector<1000x128xf32>
    %add3A = arith.addf %get3A_1, %get3A_4 : vector<1000x128xf32>
    %mul3A = arith.constant 0.0333333351 : f32
    %mul3A_5 = vector.broadcast %mul3A : f32 to vector<1000x128xf32>
    %mul3A_6 = arith.mulf %add3A, %mul3A_5 : vector<1000x128xf32>
    %get3A_7 = arith.constant 0 : index
    %get3A_8 = arith.constant 0 : index
    %get3A_9 = vector.load %arg1[%get3A_7, %get3A_8] : memref<1000x128xf32, #tpu.memory_space<vmem>>, vector<1000x128xf32>
    %add3A_10 = arith.addf %get3A_9, %mul3A_6 : vector<1000x128xf32>
    %reduce_sum3A = arith.constant dense<0.000000e+00> : vector<1000xf32>
    %reduce_sum3A_11 = vector.multi_reduction <add>, %add3A_10, %reduce_sum3A [1] : vector<1000x128xf32> to vector<1000xf32>
    %broadcast_in_dim3A = vector.shape_cast %reduce_sum3A_11 : vector<1000xf32> to vector<1000x1xf32>
    %div3A = arith.constant 1.280000e+02 : f32
    %div3A_12 = vector.broadcast %div3A : f32 to vector<1000x1xf32>
    %div3A_13 = arith.divf %broadcast_in_dim3A, %div3A_12 : vector<1000x1xf32>
    %sub3A = vector.broadcast %div3A_13 : vector<1000x1xf32> to vector<1000x128xf32>
    %sub3A_14 = arith.subf %add3A_10, %sub3A : vector<1000x128xf32>
    %integer_pow3A = arith.mulf %sub3A_14, %sub3A_14 : vector<1000x128xf32>
    %reduce_sum3A_15 = arith.constant dense<0.000000e+00> : vector<1000xf32>
    %reduce_sum3A_16 = vector.multi_reduction <add>, %integer_pow3A, %reduce_sum3A_15 [1] : vector<1000x128xf32> to vector<1000xf32>
    %broadcast_in_dim3A_17 = vector.shape_cast %reduce_sum3A_16 : vector<1000xf32> to vector<1000x1xf32>
    %div3A_18 = arith.constant 1.280000e+02 : f32
    %div3A_19 = vector.broadcast %div3A_18 : f32 to vector<1000x1xf32>
    %div3A_20 = arith.divf %broadcast_in_dim3A_17, %div3A_19 : vector<1000x1xf32>
    %sub3A_21 = vector.broadcast %div3A_13 : vector<1000x1xf32> to vector<1000x128xf32>
    %sub3A_22 = arith.subf %add3A_10, %sub3A_21 : vector<1000x128xf32>
    %add3A_23 = arith.constant 9.99999974E-6 : f32
    %add3A_24 = vector.broadcast %add3A_23 : f32 to vector<1000x1xf32>
    %add3A_25 = arith.addf %div3A_20, %add3A_24 : vector<1000x1xf32>
    %rsqrt3A = math.rsqrt %add3A_25 : vector<1000x1xf32>
    %mul3A_26 = vector.broadcast %rsqrt3A : vector<1000x1xf32> to vector<1000x128xf32>
    %mul3A_27 = arith.mulf %sub3A_22, %mul3A_26 : vector<1000x128xf32>
    %get3A_28 = arith.constant 0 : index
    %get3A_29 = arith.constant 0 : index
    %get3A_30 = vector.load %arg8[%get3A_28, %get3A_29] : memref<1x128xf32, #tpu.memory_space<vmem>>, vector<1x128xf32>
    %mul3A_31 = vector.broadcast %get3A_30 : vector<1x128xf32> to vector<1000x128xf32>
    %mul3A_32 = arith.mulf %mul3A_27, %mul3A_31 : vector<1000x128xf32>
    %get3A_33 = arith.constant 0 : index
    %get3A_34 = arith.constant 0 : index
    %get3A_35 = vector.load %arg9[%get3A_33, %get3A_34] : memref<1x128xf32, #tpu.memory_space<vmem>>, vector<1x128xf32>
    %add3A_36 = vector.broadcast %get3A_35 : vector<1x128xf32> to vector<1000x128xf32>
    %add3A_37 = arith.addf %mul3A_32, %add3A_36 : vector<1000x128xf32>
    %get3A_38 = arith.constant 0 : index
    %get3A_39 = arith.constant 0 : index
    %get3A_40 = vector.load %arg4[%get3A_38, %get3A_39] : memref<128x512xf32, #tpu.memory_space<vmem>>, vector<128x512xf32>
    %dot_general3A = arith.constant dense<0.000000e+00> : vector<1000x512xf32>
    %dot_general3A_41 = tpu.matmul %add3A_37, %get3A_40, %dot_general3A {dimension_numbers = #tpu.dot_dimension_numbers<[1], [0], [0], [1], [0, 0, 1, 1], [], []>, transpose_lhs_hint = false} : vector<1000x128xf32>, vector<128x512xf32>, vector<1000x512xf32> -> vector<1000x512xf32>
    %get3A_42 = arith.constant 0 : index
    %get3A_43 = arith.constant 0 : index
    %get3A_44 = vector.load %arg5[%get3A_42, %get3A_43] : memref<1x512xf32, #tpu.memory_space<vmem>>, vector<1x512xf32>
    %add3A_45 = vector.broadcast %get3A_44 : vector<1x512xf32> to vector<1000x512xf32>
    %add3A_46 = arith.addf %dot_general3A_41, %add3A_45 : vector<1000x512xf32>
    %mul3A_47 = arith.constant 5.000000e-01 : f32
    %mul3A_48 = vector.broadcast %mul3A_47 : f32 to vector<1000x512xf32>
    %mul3A_49 = arith.mulf %mul3A_48, %add3A_46 : vector<1000x512xf32>
    %mul3A_50 = arith.constant 0.707106769 : f32
    %mul3A_51 = vector.broadcast %mul3A_50 : f32 to vector<1000x512xf32>
    %mul3A_52 = arith.mulf %add3A_46, %mul3A_51 : vector<1000x512xf32>
    %erf3A = math.erf %mul3A_52 : vector<1000x512xf32>
    %add3A_53 = arith.constant 1.000000e+00 : f32
    %add3A_54 = vector.broadcast %add3A_53 : f32 to vector<1000x512xf32>
    %add3A_55 = arith.addf %add3A_54, %erf3A : vector<1000x512xf32>
    %mul3A_56 = arith.mulf %mul3A_49, %add3A_55 : vector<1000x512xf32>
    %get3A_57 = arith.constant 0 : index
    %get3A_58 = arith.constant 0 : index
    %get3A_59 = vector.load %arg6[%get3A_57, %get3A_58] : memref<512x128xf32, #tpu.memory_space<vmem>>, vector<512x128xf32>
    %dot_general3A_60 = arith.constant dense<0.000000e+00> : vector<1000x128xf32>
    %dot_general3A_61 = tpu.matmul %mul3A_56, %get3A_59, %dot_general3A_60 {dimension_numbers = #tpu.dot_dimension_numbers<[1], [0], [0], [1], [0, 0, 1, 1], [], []>, transpose_lhs_hint = false} : vector<1000x512xf32>, vector<512x128xf32>, vector<1000x128xf32> -> vector<1000x128xf32>
    %get3A_62 = arith.constant 0 : index
    %get3A_63 = arith.constant 0 : index
    %get3A_64 = vector.load %arg7[%get3A_62, %get3A_63] : memref<1x128xf32, #tpu.memory_space<vmem>>, vector<1x128xf32>
    %add3A_65 = vector.broadcast %get3A_64 : vector<1x128xf32> to vector<1000x128xf32>
    %add3A_66 = arith.addf %dot_general3A_61, %add3A_65 : vector<1000x128xf32>
    %add3A_67 = arith.addf %add3A_37, %add3A_66 : vector<1000x128xf32>
    %reduce_sum3A_68 = arith.constant dense<0.000000e+00> : vector<1000xf32>
    %reduce_sum3A_69 = vector.multi_reduction <add>, %add3A_67, %reduce_sum3A_68 [1] : vector<1000x128xf32> to vector<1000xf32>
    %broadcast_in_dim3A_70 = vector.shape_cast %reduce_sum3A_69 : vector<1000xf32> to vector<1000x1xf32>
    %div3A_71 = arith.constant 1.280000e+02 : f32
    %div3A_72 = vector.broadcast %div3A_71 : f32 to vector<1000x1xf32>
    %div3A_73 = arith.divf %broadcast_in_dim3A_70, %div3A_72 : vector<1000x1xf32>
    %sub3A_74 = vector.broadcast %div3A_73 : vector<1000x1xf32> to vector<1000x128xf32>
    %sub3A_75 = arith.subf %add3A_67, %sub3A_74 : vector<1000x128xf32>
    %integer_pow3A_76 = arith.mulf %sub3A_75, %sub3A_75 : vector<1000x128xf32>
    %reduce_sum3A_77 = arith.constant dense<0.000000e+00> : vector<1000xf32>
    %reduce_sum3A_78 = vector.multi_reduction <add>, %integer_pow3A_76, %reduce_sum3A_77 [1] : vector<1000x128xf32> to vector<1000xf32>
    %broadcast_in_dim3A_79 = vector.shape_cast %reduce_sum3A_78 : vector<1000xf32> to vector<1000x1xf32>
    %div3A_80 = arith.constant 1.280000e+02 : f32
    %div3A_81 = vector.broadcast %div3A_80 : f32 to vector<1000x1xf32>
    %div3A_82 = arith.divf %broadcast_in_dim3A_79, %div3A_81 : vector<1000x1xf32>
    %sub3A_83 = vector.broadcast %div3A_73 : vector<1000x1xf32> to vector<1000x128xf32>
    %sub3A_84 = arith.subf %add3A_67, %sub3A_83 : vector<1000x128xf32>
    %add3A_85 = arith.constant 9.99999974E-6 : f32
    %add3A_86 = vector.broadcast %add3A_85 : f32 to vector<1000x1xf32>
    %add3A_87 = arith.addf %div3A_82, %add3A_86 : vector<1000x1xf32>
    %rsqrt3A_88 = math.rsqrt %add3A_87 : vector<1000x1xf32>
    %mul3A_89 = vector.broadcast %rsqrt3A_88 : vector<1000x1xf32> to vector<1000x128xf32>
    %mul3A_90 = arith.mulf %sub3A_84, %mul3A_89 : vector<1000x128xf32>
    %get3A_91 = arith.constant 0 : index
    %get3A_92 = arith.constant 0 : index
    %get3A_93 = vector.load %arg10[%get3A_91, %get3A_92] : memref<1x128xf32, #tpu.memory_space<vmem>>, vector<1x128xf32>
    %mul3A_94 = vector.broadcast %get3A_93 : vector<1x128xf32> to vector<1000x128xf32>
    %mul3A_95 = arith.mulf %mul3A_90, %mul3A_94 : vector<1000x128xf32>
    %get3A_96 = arith.constant 0 : index
    %get3A_97 = arith.constant 0 : index
    %get3A_98 = vector.load %arg11[%get3A_96, %get3A_97] : memref<1x128xf32, #tpu.memory_space<vmem>>, vector<1x128xf32>
    %add3A_99 = vector.broadcast %get3A_98 : vector<1x128xf32> to vector<1000x128xf32>
    %add3A_100 = arith.addf %mul3A_95, %add3A_99 : vector<1000x128xf32>
    %swap3A = arith.constant 0 : index
    %swap3A_101 = arith.constant 0 : index
    %swap3A_102 = vector.load %arg12[%swap3A, %swap3A_101] : memref<1000x128xf32, #tpu.memory_space<vmem>>, vector<1000x128xf32>
    tpu.vector_store %arg12[%swap3A, %swap3A_101], %add3A_100 {strides = array<i32>} : memref<1000x128xf32, #tpu.memory_space<vmem>>, vector<1000x128xf32>,
    return
  }
  func.func @transform_0(%arg0: i32) -> (i32, i32) {
    %c0_i32 = arith.constant 0 : i32
    %c0_i32_0 = arith.constant 0 : i32
    return %arg0, %c0_i32 : i32, i32
  }
  func.func @transform_1(%arg0: i32) -> (i32, i32) {
    %c0_i32 = arith.constant 0 : i32
    %c0_i32_0 = arith.constant 0 : i32
    return %arg0, %c0_i32 : i32, i32
  }
  func.func @transform_2(%arg0: i32) -> (i32, i32) {
    %c0_i32 = arith.constant 0 : i32
    %c0_i32_0 = arith.constant 0 : i32
    return %arg0, %c0_i32 : i32, i32
  }
  func.func @transform_3(%arg0: i32) -> (i32, i32) {
    %c0_i32 = arith.constant 0 : i32
    %c0_i32_0 = arith.constant 0 : i32
    %c0_i32_1 = arith.constant 0 : i32
    return %c0_i32, %c0_i32_0 : i32, i32
  }
  func.func @transform_4(%arg0: i32) -> (i32, i32) {
    %c0_i32 = arith.constant 0 : i32
    %c0_i32_0 = arith.constant 0 : i32
    %c0_i32_1 = arith.constant 0 : i32
    return %c0_i32, %c0_i32_0 : i32, i32
  }
  func.func @transform_5(%arg0: i32) -> (i32, i32) {
    %c0_i32 = arith.constant 0 : i32
    %c0_i32_0 = arith.constant 0 : i32
    %c0_i32_1 = arith.constant 0 : i32
    return %c0_i32, %c0_i32_0 : i32, i32
  }
  func.func @transform_6(%arg0: i32) -> (i32, i32) {
    %c0_i32 = arith.constant 0 : i32
    %c0_i32_0 = arith.constant 0 : i32
    %c0_i32_1 = arith.constant 0 : i32
    return %c0_i32, %c0_i32_0 : i32, i32
  }
  func.func @transform_7(%arg0: i32) -> (i32, i32) {
    %c0_i32 = arith.constant 0 : i32
    %c0_i32_0 = arith.constant 0 : i32
    %c0_i32_1 = arith.constant 0 : i32
    return %c0_i32, %c0_i32_0 : i32, i32
  }
  func.func @transform_8(%arg0: i32) -> (i32, i32) {
    %c0_i32 = arith.constant 0 : i32
    %c0_i32_0 = arith.constant 0 : i32
    %c0_i32_1 = arith.constant 0 : i32
    return %c0_i32, %c0_i32_0 : i32, i32
  }
  func.func @transform_9(%arg0: i32) -> (i32, i32) {
    %c0_i32 = arith.constant 0 : i32
    %c0_i32_0 = arith.constant 0 : i32
    %c0_i32_1 = arith.constant 0 : i32
    return %c0_i32, %c0_i32_0 : i32, i32
  }
  func.func @transform_10(%arg0: i32) -> (i32, i32) {
    %c0_i32 = arith.constant 0 : i32
    %c0_i32_0 = arith.constant 0 : i32
    %c0_i32_1 = arith.constant 0 : i32
    return %c0_i32, %c0_i32_0 : i32, i32
  }
  func.func @transform_11(%arg0: i32) -> (i32, i32) {
    %c0_i32 = arith.constant 0 : i32
    %c0_i32_0 = arith.constant 0 : i32
    return %arg0, %c0_i32 : i32, i32
  }
}

</mosaic_0001>

<sc_bundles>
// kernel: kernel.5.cloned.1.call-start
scs
__scs_entry_jumppad:
0x0: {  	(pc) =	sbr.rel $0x88, $3  }
0x1: {  	(tag) =	ssettag $0x0;
	lr =	simm.s32 $0x1  }
0x2: {  	[smem:$0x3F90] =	sst lr;
	_ =	strace $0xD0000000  }
0x3: {  	_ = 	snop  }
0x4: {  	_ = 	snop  }
0x5: {  	_ = 	snop  }
0x6: {  	_ = 	snop  }
0x7: {  	_ = 	snop  }
__scs_overlays_trampoline_lowered:
0x8: {  	[smem:$0x3F9F] =	sst s0  }
0x9: {  	[smem:$0x3FA0] =	sst s1  }
0xa: {  	[smem:$0x3FA1] =	sst s2  }
0xb: {  	[smem:$0x3FA2] =	sst s3  }
0xc: {  	[smem:$0x3FA3] =	sst s4  }
0xd: {  	[smem:$0x3FA4] =	sst s5  }
0xe: {  	[smem:$0x3FA5] =	sst s6  }
0xf: {  	[smem:$0x3FA6] =	sst s7  }
0x10: {  	[smem:$0x3FA7] =	sst s8  }
0x11: {  	[smem:$0x3FA8] =	sst s9;
	s0 =	simm.s32 @!p0 $0x0  }
0x12: {  	s1 =	sld [smem:$0x3F8E];
	s0 =	simm.s32 @p0 $0x1  }
0x13: {  	[smem:$0x3FA9] =	sst s0;
	s0 =	simm.s32 @!p1 $0x0  }
0x14: {  	s2 =	sld [smem:$0x3F8D];
	s0 =	simm.s32 @p1 $0x1  }
0x15: {  	[smem:$0x3FAA] =	sst s0;
	s0 =	simm.s32 @!p2 $0x0  }
0x16: {  	s3 =	sld [smem:$0x3FDB];
	s0 =	simm.s32 @p2 $0x1  }
0x17: {  	s4 =	simm.s32 $0x1BF5;
	[smem:$0x3FAC] =	sst s0  }
0x18: {  	s0 =	sld [smem:$0x3F8F];
	_ =	swait.ge [sflag:s4], $0x0  }
0x19: {  	s7 =	sld [smem:$0x3F90]  }
0x1a: {  	s8 =	sadd.s32 $0xFFFFE003, lr  }
0x1b: {  	s9 =	sadd.s32 $0xFFFFFEF7, lr;
	s5 =	simm.s32 $0xFFFFFFFF;
	p2 =	slt.u32 s8, $0xFFFFF086  }
0x1c: {  	p1 =	slt.u32 s9, $0xF7A;
	s5 =	simm.s32 @!p2 $0x0  }
0x1d: {  	s5 =	simm.s32 @p1 $0x1;
	p0 =	seq.s32 s7, s2  }
0x1e: {  	s7 =	smul.u32 @!p0 $0xF7A, s2;
	p2 =	seq.s32 @!p0 s5, $0x0  }
0x1f: {  	s9 =	smul.u32 $0xF7A, s1;
	s8 =	simm.s32 @!p0 $0x1BF5;
	p2 =	por !p2, p0  }
0x20: {  	[sflag:s8] =	ssyncset.s32 @!p0 $0xFFFFF086;
	s6 =	sadd.s32 @!p0 s3, s7;
	s7 =	simm.s32 @!p0 $0x108  }
0x21: {  	s3 =	sadd.s32 s3, s9;
	s6 =	sadd.s32 @!p0 $0x88, s6;
	s7 =	simm.s32 @p2 $0x1082  }
0x22: {  	[simem:s7], [sflag:s8] =	dma.local @!p0 [hbm:s6], $0xF7A  }
0x23: {  	s9 =	sor.u32 $0xD0000000, s2;
	s6 =	simm.s32 $0x108;
	_ =	swait.ge @!p0 [sflag:s8], $0x0  }
0x24: {  	s3 =	sadd.s32 $0x88, s3;
	s6 =	simm.s32 @!p1 $0x1082;
	[sflag:s4] =	ssyncset.s32 $0xFFFFF086  }
0x25: {  	[simem:s6], [sflag:s4] =	dma.local [hbm:s3], $0xF7A  }
0x26: {  	[smem:$0x3F90] =	sst s1;
	(tag) =	ssettag s2;
	_ =	strace s9  }
0x27: {  	s1 =	sld [smem:$0x3FA0]  }
0x28: {  	s2 =	sld [smem:$0x3FA1]  }
0x29: {  	s4 =	sld [smem:$0x3FA3]  }
0x2a: {  	p0 =	seq.s32 s5, $0x0;
	s5 =	sld [smem:$0x3FA4]  }
0x2b: {  	s6 =	sld [smem:$0x3FA5]  }
0x2c: {  	s7 =	sld [smem:$0x3FA6]  }
0x2d: {  	s3 =	simm.s32 $0x108;
	s8 =	sld [smem:$0x3FA7]  }
0x2e: {  	s3 =	simm.s32 @!p0 $0x1082;
	s9 =	sld [smem:$0x3FA8]  }
0x2f: {  	lr =	sadd.s32 s0, s3;
	s0 =	sld [smem:$0x3F9F]  }
0x30: {  	s3 =	sld [smem:$0x3FA2]  }
0x31: {  	[smem:$0x3FAB] =	sst s10  }
0x32: {  	s10 =	sld [smem:$0x3FA9];
	_ =	sdelay $0x3  }
0x33: {  	p0 =	seq.s32 s10, $0x1;
	s10 =	sld [smem:$0x3FAB];
	_ =	sdelay $0x3  }
0x34: {  	[smem:$0x3FAB] =	sst s10  }
0x35: {  	s10 =	sld [smem:$0x3FAA];
	_ =	sdelay $0x3  }
0x36: {  	p1 =	seq.s32 s10, $0x1;
	s10 =	sld [smem:$0x3FAB];
	_ =	sdelay $0x3  }
0x37: {  	[smem:$0x3FAB] =	sst s10  }
0x38: {  	s10 =	sld [smem:$0x3FAC]  }
0x39: {  	_ = 	snop;
	(pc) =	sbr.ind lr, $3  }
0x3a: {  	_ = 	snop  }
0x3b: {  	_ = 	snop  }
0x3c: {  	p2 =	seq.s32 s10, $0x1;
	s10 =	sld [smem:$0x3FAB]  }
0x3d: {  	_ =	shalt  }
0x3e: {  	_ =	shalt  }
0x3f: {  	_ =	shalt  }
0x40: {  	_ =	shalt  }
0x41: {  	_ =	shalt  }
0x42: {  	_ =	shalt  }
0x43: {  	_ =	shalt  }
0x44: {  	_ =	shalt  }
0x45: {  	_ =	shalt  }
0x46: {  	_ =	shalt  }
0x47: {  	_ =	shalt  }
0x48: {  	_ =	shalt  }
0x49: {  	_ =	shalt  }
0x4a: {  	_ =	shalt  }
0x4b: {  	_ =	shalt  }
0x4c: {  	_ =	shalt  }
0x4d: {  	_ =	shalt  }
0x4e: {  	_ =	shalt  }
0x4f: {  	_ =	shalt  }
0x50: {  	_ =	shalt  }
0x51: {  	_ =	shalt  }
0x52: {  	_ =	shalt  }
0x53: {  	_ =	shalt  }
0x54: {  	_ =	shalt  }
0x55: {  	_ =	shalt  }
0x56: {  	_ =	shalt  }
0x57: {  	_ =	shalt  }
0x58: {  	_ =	shalt  }
0x59: {  	_ =	shalt  }
0x5a: {  	_ =	shalt  }
0x5b: {  	_ =	shalt  }
0x5c: {  	_ =	shalt  }
0x5d: {  	_ =	shalt  }
0x5e: {  	_ =	shalt  }
0x5f: {  	_ =	shalt  }
0x60: {  	_ =	shalt  }
0x61: {  	_ =	shalt  }
0x62: {  	_ =	shalt  }
0x63: {  	_ =	shalt  }
0x64: {  	_ =	shalt  }
0x65: {  	_ =	shalt  }
0x66: {  	_ =	shalt  }
0x67: {  	_ =	shalt  }
0x68: {  	_ =	shalt  }
0x69: {  	_ =	shalt  }
0x6a: {  	_ =	shalt  }
0x6b: {  	_ =	shalt  }
0x6c: {  	_ =	shalt  }
0x6d: {  	_ =	shalt  }
0x6e: {  	_ =	shalt  }
0x6f: {  	_ =	shalt  }
0x70: {  	_ =	shalt  }
0x71: {  	_ =	shalt  }
0x72: {  	_ =	shalt  }
0x73: {  	_ =	shalt  }
0x74: {  	_ =	shalt  }
0x75: {  	_ =	shalt  }
0x76: {  	_ =	shalt  }
0x77: {  	_ =	shalt  }
0x78: {  	_ =	shalt  }
0x79: {  	_ =	shalt  }
0x7a: {  	_ =	shalt  }
0x7b: {  	_ =	shalt  }
0x7c: {  	_ =	shalt  }
0x7d: {  	_ =	shalt  }
0x7e: {  	_ =	shalt  }
0x7f: {  	_ =	shalt  }
0x80: {  	_ =	shalt  }
0x81: {  	_ =	shalt  }
0x82: {  	_ =	shalt  }
0x83: {  	_ =	shalt  }
0x84: {  	_ =	shalt  }
0x85: {  	_ =	shalt  }
0x86: {  	_ =	shalt  }
0x87: {  	_ =	shalt  }
.Lfunc_end0:
.L_simem_size_0:
called_computation_lowered:
.L_overlay_start_0:
0x88: {  	s2 =	sld [smem:$0x3FD9]  }
0x89: {  	s3 =	sld [smem:$0x3FFE];
	_ =	sdelay $0x1  }
0x8a: {  	s1 =	srdreg.scid  }
0x8b: {  	s0 =	sand.u32 $0x1, s1  }
0x8c: {  	s17 =	sshll.u32 s0, $0xA;
	s2 =	sadd.s32 s3, s2  }
0x8d: {  	s2 =	sadd.s32 s2, s17  }
0x8e: {  	[smem:$0x3FB7] =	sst s2  }
0x8f: {  	_ = 	snop  }
0x90: {  	s2 =	sld [smem:$0x3FD0];
	(tm) =	ssettm $0x1  }
0x91: {  	s18 =	sld [smem:$0x3FFB];
	_ =	sdelay $0x3  }
0x92: {  	_ =	strace s18  }
0x93: {  	s3 =	sld [smem:$0x3FFC];
	_ =	sdelay $0x3  }
0x94: {  	_ =	strace s3  }
0x95: {  	s3 =	sld [smem:$0x3FFD];
	_ =	sdelay $0x3  }
0x96: {  	_ =	strace s3  }
0x97: {  	_ =	strace $0x8FFFFFFF  }
0x98: {  	s19 =	sld [smem:$0x3FDB];
	_ =	sdelay $0x1  }
0x99: {  	s4 =	simm.s32 $_scs_section_size  }
0x9a: {  	s5 =	simm.s32 $_size__tile_overlayer_lowered;
	s6 =	simm.s32 $_tile_overlayer_lowered  }
0x9b: {  	s22 =	simm.s32 $0x1BFF;
	s21 =	sshll.u32 s6, $0x1;
	s3 =	sadd.s32 s4, s19  }
0x9c: {  	s7 =	simm.s32 $0x0;
	s20 =	sshll.u32 s5, $0x1;
	s5 =	sadd.s32 s21, s3  }
0x9d: {  	[timem:s7], [sflag:s22] =	dma.local [hbm:s5], s20  }
0x9e: {  	_ =	swait.ge [sflag:s22], s20  }
0x9f: {  	s4 =	ssub.s32 $0x0, s20;
	[sflag:s22] =	ssyncset.done $0x0  }
0xa0: {  	[sflag:s22] =	ssyncadd.s32 s4;
	_ =	sdelay $0x1  }
0xa1: {  	s23 =	simm.s32 $0x1B8B  }
0xa2: {  	_ =	swait.ge [sflag:s23], $0x1  }
0xa3: {  	[sflag:s23] =	ssyncset.done $0x0  }
0xa4: {  	s25 =	simm.s32 $0x1B8E;
	s24 =	sld [smem:$0x3FFE];
	[sflag:s23] =	ssyncadd.s32 $0xFFFFFFFF  }
0xa5: {  	s26 =	simm.s32 $execute0_lowered;
	[smem:$0x3FD2] =	sst s25  }
0xa6: {  	s5 =	sshll.u32 s26, $0x1;
	_ =	strace $0x80000046;
	[dreg:$0x1] =	wrdreg $0xFFFFFFFF  }
0xa7: {  	s28 =	simm.s32 $_size_execute0_lowered;
	s3 =	sadd.s32 s3, s5;
	[dreg:$0x0] =	wrdreg $0x0  }
0xa8: {  	s5 =	sshll.u32 s28, $0x1;
	[dreg:$0x2] =	wrdreg s3  }
0xa9: {  	[dreg:$0x3] =	wrdreg s5  }
0xaa: {  	[dreg:$0x4] =	wrdreg $0xC0  }
0xab: {  	_ =	task [dreg:s7], $0x5FFFF  }
0xac: {  	[dreg:$0x1] =	wrdreg $0xFFFFFFFF  }
0xad: {  	[dreg:$0x0] =	wrdreg $0x60  }
0xae: {  	[dreg:$0x2] =	wrdreg s24  }
0xaf: {  	[dreg:$0x3] =	wrdreg s2  }
0xb0: {  	[dreg:$0x4] =	wrdreg $0xB8000  }
0xb1: {  	[dreg:$0x5] =	wrdreg $0x9  }
0xb2: {  	_ =	task.clear_ibuf [dreg:s7], $0x6FFFF;
	_ =	strace $0x90000046  }
0xb3: {  	s29 =	simm.s32 $0x9;
	_ =	strace $0x80000048  }
0xb4: {  	_ =	swait.ge [sflag:s29], $0x1  }
0xb5: {  	[sflag:s29] =	ssyncadd.s32 $0xFFFFFFFF  }
0xb6: {  	_ =	strace $0x90000048  }
0xb7: {  	_ =	sfence  }
0xb8: {  	s30 =	sld [smem:$0x0];
	_ =	sdelay $0x2  }
0xb9: {  	s31 =	sshll.u32 s1, $0xD;
	s1 =	sshrl.u32 s1, $0x2  }
0xba: {  	s3 =	sand.u32 $0x4000, s31;
	s1 =	sadd.s32 s1, s30  }
0xbb: {  	s0 =	sor.u32 s3, s0;
	s1 =	sshll.u32 s1, $0x11  }
0xbc: {  	s0 =	sor.u32 s1, s0  }
0xbd: {  	s0 =	sadd.s32 $0x8F2B, s0  }
0xbe: {  	[sflag:s0] =	ssyncadd.remote.s32 $0x1  }
0xbf: {  	_ =	sfence.sel $0xFFFF  }
0xc0: {  	[dreg:$0x0] =	wrdreg $0xFFFFFFFF;
	(pc) =	sbr.abs _section_cstart, $3  }
0xc1: {  	[dreg:$0x1] =	wrdreg $0xFFFFFFFF  }
0xc2: {  	_ =	task.clear_ibuf [dreg:s7], $0x2FFFF;
	_ =	strace $0x9FFFFFFF  }
0xc3: {  	(tm) =	ssettm $0x7FFFFFFF  }
tec
execute0_lowered:
.L_overlay_start_1:
0x0: {  	(tag) =	ssettag $0x1  }
0x1: {  	s5 =	rddreg [dreg:$0x0]  }
0x2: {  	s1 =	rddreg [dreg:$0x1]  }
0x3: {  	s2 =	rddreg [dreg:$0x2];
	s3 =	srdreg.scid  }
0x4: {  	s0 =	rddreg [dreg:$0x3];
	s16 =	stileid.u32;
	s15 =	simm.s32 $0x50  }
0x5: {  	s18 =	simm.s32 $0x0;
	s9 =	sand.u32 $0x1, s3;
	s3 =	simm.s32 $0x0  }
0x6: {  	s10 =	sadd.s32 $0x9D6C00, s5;
	p0 =	seq.s32 s16, $0x0;
	s13 =	smul.u32 $0x27100, s16  }
0x7: {  	s4 =	sshll.u32 s9, $0x4;
	[smem:$0x7FF] =	sst s3;
	s8 =	ssub.s32 $0x2, s9  }
0x8: {  	s30 =	smul.u32 $0x271000, s9;
	p1 =	seq.s32 s9, $0x1;
	s14 =	sor.u32 s9, s16  }
0x9: {  	s6 =	sor.u32 s16, s4;
	_ =	strace $0x80000047;
	s11 =	sshrl.u32 s8, $0x1  }
0xa: {  	p0 =	por !p0, !p1;
	p2 =	sne.s32 s14, $0x0;
	s14 =	simm.s32 $0x6800  }
0xb: {  	s4 =	sshll.u32 s6, $0xB;
	s12 =	smul.u32 $0x138800, s6;
	s11 =	ssub.s32 s8, s11  }
0xc: {  	s28 =	smul.u32 $0x27100, s6;
	s31 =	sadd.s32 s30, s10;
	p1 =	por !p0, !p0  }
0xd: {  	p0 =	sne.s32 s16, $0x0;
	s16 =	sshll.u32 @!p2 s16, $0x6;
	s17 =	sshrl.u32 @!p2 s2, $0x3  }
0xe: {  	s7 =	sadd.s32 s4, s5;
	s4 =	sadd.s32 $0x2C00, s5;
	s5 =	sadd.s32 $0x29E00, s5  }
0xf: {  	s9 =	smax.u32 s11, $0x1;
	s11 =	sshrl.u32 @!p0 s2, $0x3;
	s16 =	sor.u32 @!p2 $0x1C04, s16  }
0x10: {  	s6 =	sadd.s32 $0x9C6C00, s7;
	s12 =	sshrl.u32 s12, $0x3;
	s7 =	sadd.s32 s10, s28  }
0x11: {  	s29 =	sadd.s32 s10, s12;
	s10 =	sadd.s32 s13, s31;
	s12 =	simm.s32 $0x4  }
0x12: {  	s13 =	simm.s32 $0x4000;
	s8 =	sadd.s32 $0x500, s29;
	s10 =	sadd.s32 $0xA00, s10  }
.LBB2_1:
0x13: {  	s19 =	simm.s32 @!p0 $0x1C04  }
0x14: {  	[spmem:s11], [sflag:s19] =	dma.local @!p0 [hbm:s1], $0x27100  }
0x15: {  	s19 =	simm.s32 @!p0 $0x4  }
0x16: {  	_ =	swait.ge @!p0 [sflag:s19], $0x27100  }
0x17: {  	p3 =	por $0x0, $0x0;
	s20 =	simm.s32 $0x0;
	[sflag:s19] =	ssyncset.done @!p0 $0x0  }
0x18: {  	s20 =	smul.u32 $0xAB, s20;
	[sflag:s19] =	ssyncadd.s32 @!p0 $0xFFFD8F00;
	s19 =	simm.s32 $0x2  }
0x19: {  	[tilespmem:s3], [sflag:$0x4] =	stream.linear.gather [hbm4b:s6+s3], $0x3E80, $0x38;
	[tilespmem:$0x1F080] =	vst v63  }
0x1a: {  	s20 =	sshrl.u32 s20, $0x9;
	s19 =	smul.u32 @!p3 $0xAB, s19  }
0x1b: {  	s20 =	sand.u32 $0x7F, s20;
	_ =	swait.ge [sflag:s12], $0x3E80  }
0x1c: {  	s20 =	smul.u32 $0x3, s20;
	[sflag:s12] =	ssyncset.done $0x0;
	s19 =	sshrl.u32 @!p3 s19, $0x9  }
0x1d: {  	[sflag:s12] =	ssyncadd.s32 $0xFFFFC180;
	s19 =	sand.u32 @!p3 $0x7F, s19  }
0x1e: {  	s25 =	ssub.s32 $0x0, s20;
	[bflag:$0x0] =	sbarrier.arrive $0xFFFF;
	s19 =	smul.u32 @!p3 $0x3, s19  }
0x1f: {  	[tilespmem:s13], [sflag:$0x1] =	stream.linear.gather [hbm4b:s7+s3], $0x2800, $0x38;
	[tilespmem:$0x1F080] =	vst v63  }
0x20: {  	s25 =	sand.u32 $0xFF, s25;
	s19 =	ssub.s32 @!p3 $0x2, s19  }
0x21: {  	s28 =	sadd.s32 $0x1, s25;
	s25 =	smul.u32 $0xA000, s25;
	s19 =	sand.u32 @!p3 $0xFF, s19  }
0x22: {  	s21 =	simm.s32 $0x3;
	s22 =	simm.s32 $0x4;
	s23 =	smul.u32 @!p3 $0xA000, s19  }
0x23: {  	[tilespmem:s14], [sflag:$0x2] =	stream.linear.gather [hbm4b:s8+s3], $0x2800, $0x38;
	[tilespmem:$0x1F080] =	vst v63  }
0x24: {  	s26 =	simm.s32 @!p3 $0x0;
	s20 =	sadd.s32 $0x500, s10;
	s23 =	sshrl.u32 @!p3 s23, $0x2  }
0x25: {  	s29 =	sshrl.u32 s25, $0x2;
	s24 =	sadd.s32 @!p3 $0x1, s19;
	s23 =	sadd.s32 @!p3 $0x4000, s23  }
0x26: {  	[tilespmem:s23], [sflag:s24] =	stream.linear.gather @!p3 [hbm4b:s10+s26], $0x2800, $0x38;
	[tilespmem:$0x1F080] =	vst v63  }
0x27: {  	s19 =	simm.s32 $0x80;
	s23 =	simm.s32 $0x1;
	_ =	swait.ge [sflag:s28], $0x2800  }
0x28: {  	p3 =	por $0x0, $0x0;
	s30 =	smul.u32 $0xAB, s23;
	[sflag:s28] =	ssyncset.done $0x0  }
0x29: {  	s24 =	sadd.s32 $0x4000, s29;
	s26 =	smul.u32 @!p3 $0xAB, s21;
	[sflag:s28] =	ssyncadd.s32 $0xFFFFD800  }
0x2a: {  	[spmem:s2] =	stream.indirect.scatter.add.f32 [tilespmem:s24], [sflag:$0x4], $0x80, s3, s15, $0xb8;
	[tilespmem:$0x1F080] =	vst v63  }
0x2b: {  	s31 =	sshrl.u32 s30, $0x9;
	s25 =	sshrl.u32 @!p3 s26, $0x9;
	_ =	swait.ge [sflag:s12], $0x2800  }
0x2c: {  	s24 =	sand.u32 $0x7F, s31;
	s25 =	sand.u32 @!p3 $0x7F, s25;
	[sflag:s12] =	ssyncset.done $0x0  }
.LBB2_2:
0x2d: {  	s25 =	smul.u32 @!p3 $0x3, s25;
	[sflag:s12] =	ssyncadd.s32 $0xFFFFD800;
	s26 =	smov.u32 s22  }
0x2e: {  	s22 =	sadd.s32 $0x1, s22;
	s28 =	smov.u32 s20;
	s29 =	smov.u32 s19  }
0x2f: {  	p4 =	sne.s32 s22, $0x7F  }
0x30: {  	s24 =	smul.u32 $0x3, s24;
	s25 =	ssub.s32 @!p3 s21, s25;
	s21 =	smov.u32 s26  }
0x31: {  	s25 =	sand.u32 @!p3 $0xFF, s25  }
0x32: {  	s23 =	ssub.s32 s23, s24;
	s26 =	smul.u32 @!p3 $0xA000, s25;
	s25 =	sadd.s32 @!p3 $0x1, s25  }
0x33: {  	s20 =	sadd.s32 $0x500, s20;
	s19 =	sadd.s32 $0x80, s19;
	s23 =	sand.u32 $0xFF, s23  }
0x34: {  	s30 =	sadd.s32 $0x1, s23;
	s24 =	sshrl.u32 @!p3 s26, $0x2;
	s26 =	simm.s32 @!p3 $0x0  }
0x35: {  	s31 =	smul.u32 $0xA000, s23;
	s23 =	sadd.s32 $0xFFFFFFFE, s21;
	s24 =	sadd.s32 @!p3 $0x4000, s24  }
0x36: {  	[tilespmem:s24], [sflag:s25] =	stream.linear.gather @!p3 [hbm4b:s28+s26], $0x2800, $0x38;
	[tilespmem:$0x1F080] =	vst v63  }
0x37: {  	s24 =	sshrl.u32 s31, $0x2;
	s25 =	smul.u32 $0xAB, s23;
	_ =	swait.ge [sflag:s30], $0x2800  }
.Ltmp0:
0x38: {  	p3 =	sgt.u32 s23, $0x7A;
	[sflag:s30] =	ssyncset.done $0x0;
	(pc) =	sbr.rel @p4 .LBB2_2-.Ltmp0, $4  }
0x39: {  	s26 =	smul.u32 @!p3 $0xAB, s21;
	s24 =	sadd.s32 $0x4000, s24;
	[sflag:s30] =	ssyncadd.s32 $0xFFFFD800  }
0x3a: {  	[spmem:s2] =	stream.indirect.scatter.add.f32 [tilespmem:s24], [sflag:$0x4], $0x80, s29, s15, $0xb8;
	[tilespmem:$0x1F080] =	vst v63  }
0x3b: {  	s24 =	sshrl.u32 s25, $0x9;
	s25 =	sshrl.u32 @!p3 s26, $0x9;
	_ =	swait.ge [sflag:s12], $0x2800  }
0x3c: {  	s24 =	sand.u32 $0x7F, s24;
	s25 =	sand.u32 @!p3 $0x7F, s25;
	[sflag:s12] =	ssyncset.done $0x0  }
0x3d: {  	s22 =	smul.u32 @!p3 $0x3, s25;
	_ =	sdelay $0x1  }
0x3e: {  	s29 =	smul.u32 $0x3, s24;
	s21 =	ssub.s32 @!p3 s21, s22  }
0x3f: {  	s21 =	sand.u32 @!p3 $0xFF, s21  }
0x40: {  	s22 =	ssub.s32 s23, s29;
	s24 =	smul.u32 @!p3 $0xA000, s21  }
0x41: {  	[sflag:s12] =	ssyncadd.s32 $0xFFFFD800;
	s22 =	sand.u32 $0xFF, s22  }
0x42: {  	s21 =	sadd.s32 @!p3 $0x1, s21;
	s30 =	sadd.s32 $0x1, s22;
	s23 =	sshrl.u32 @!p3 s24, $0x2  }
0x43: {  	s22 =	smul.u32 $0xA000, s22;
	s24 =	simm.s32 @!p3 $0x0;
	s23 =	sadd.s32 @!p3 $0x4000, s23  }
0x44: {  	[tilespmem:s23], [sflag:s21] =	stream.linear.gather @!p3 [hbm4b:s20+s24], $0x2800, $0x38;
	[tilespmem:$0x1F080] =	vst v63  }
0x45: {  	_ =	swait.ge [sflag:s30], $0x2800  }
0x46: {  	s31 =	sshrl.u32 s22, $0x2;
	[sflag:s30] =	ssyncset.done $0x0  }
0x47: {  	s20 =	sadd.s32 $0x4000, s31;
	[sflag:s30] =	ssyncadd.s32 $0xFFFFD800  }
0x48: {  	[spmem:s2] =	stream.indirect.scatter.add.f32 [tilespmem:s20], [sflag:$0x4], $0x80, s19, s15, $0xb8;
	[tilespmem:$0x1F080] =	vst v63  }
0x49: {  	_ =	swait.ge [sflag:s12], $0x2800  }
0x4a: {  	[sflag:s12] =	ssyncset.done $0x0  }
0x4b: {  	[sflag:s12] =	ssyncadd.s32 $0xFFFFD800  }
0x4c: {  	s19 =	simm.s32 @!p2 $0x4;
	[bflag:$0x0] =	sbarrier.arrive $0xFFFF  }
0x4d: {  	[hbm:s4], [sflag:s16] =	dma.local @!p2 [spmem:s17], $0x27100  }
0x4e: {  	s18 =	sadd.s32 $0x1, s18;
	_ =	swait.ge @!p2 [sflag:s19], $0x27100  }
0x4f: {  	p3 =	sne.s32 s18, s9;
	[sflag:s19] =	ssyncset.done @!p2 $0x0  }
0x50: {  	s20 =	simm.s32 @p1 $0x1C04;
	[sflag:s19] =	ssyncadd.s32 @!p2 $0xFFFD8F00;
	s19 =	sshrl.u32 @p1 s2, $0x3  }
0x51: {  	[hbm:s5], [sflag:s20] =	dma.local @p1 [spmem:s19], $0x27100  }
.Ltmp1:
0x52: {  	_ = 	snop;
	(pc) =	sbr.rel @p3 .LBB2_1-.Ltmp1, $4  }
0x53: {  	s19 =	simm.s32 @p1 $0x4  }
0x54: {  	_ =	swait.ge @p1 [sflag:s19], $0x27100  }
0x55: {  	[sflag:s19] =	ssyncset.done @p1 $0x0  }
0x56: {  	[sflag:s19] =	ssyncadd.s32 @p1 $0xFFFD8F00  }
0x57: {  	_ =	sfence.sel $0x180000  }
0x58: {  	[bflag:$0x0] =	sbarrier.arrive $0xFFFF  }
0x59: {  	_ =	strace $0x90000047  }
0x5a: {  	s0 =	sadd.s32 @!p0 $0x100000, s0;
	[bflag:$0x2] =	sbarrier.arrive $0xFFFF  }
0x5b: {  	[sflag:s0] =	ssyncadd.tile.s32 @!p0 $0x1;
	_ =	shalt  }
.Lfunc_end2:
_tile_overlayer_lowered:
.L_overlay_start_2:
0x5c: {  	(tag) =	ssettag $0x2  }
0x5d: {  	s0 =	rddreg [dreg:$0x0];
	s2 =	stileid.u32  }
0x5e: {  	s1 =	rddreg [dreg:$0x1];
	p0 =	sne.s32 s2, $0x0  }
0x5f: {  	s3 =	rddreg [dreg:$0x2];
	[bflag:$0x3] =	sbarrier.arrive $0xFFFF;
	s2 =	simm.s32 @!p0 $0x1C04  }
0x60: {  	[timem:s3], [sflag:s2] =	dma.local @!p0 [hbm:s0], s1  }
0x61: {  	s0 =	simm.s32 @!p0 $0x4  }
0x62: {  	_ =	swait.ge @!p0 [sflag:s0], s1  }
0x63: {  	s1 =	ssub.s32 @!p0 $0x0, s1;
	[sflag:s0] =	ssyncset.done @!p0 $0x0  }
0x64: {  	[sflag:s0] =	ssyncadd.s32 @!p0 s1  }
0x65: {  	[bflag:$0x3] =	sbarrier.arrive $0xFFFF  }
0x66: {  	_ =	shalt  }

</sc_bundles>
